<compile_context>
chip_gen: v7x
topology: tpu7x:2x2x1
jax: 0.10.2.dev20260603
libtpu: 0.0.44.dev20260713+nightly
codegen_flags: <defaults>
</compile_context>

<pallas_src>
import jax
import jax.numpy as jnp
from jax import lax
from jax.experimental import pallas as pl
from jax.experimental.pallas import tpu as pltpu
from jax.experimental.pallas import tpu_sc as plsc

_B, _L = 4096, 100
_H = 64
_NC, _NS, _LN = 2, 16, 16
_NW = _NC * _NS
_RPW = _B // _NW
_GRP = _RPW // _LN

_BLK = 32768
_NVOC = 1000001
_NBLK = -(-_NVOC // _BLK)
_NPAD = _NBLK * _BLK


def _mv_body(tabT_ref, ftT_ref, wT_ref, e_ref, f_ref):
    w = jnp.transpose(wT_ref[...])
    e_ref[...] = jnp.sum(tabT_ref[...] * w[:_H], axis=0)
    f_ref[...] = jnp.sum(ftT_ref[...] * w[_H:], axis=0)


_mv_call = pl.pallas_call(
    _mv_body,
    grid=(_NBLK,),
    in_specs=[
        pl.BlockSpec((_H, _BLK), lambda i: (0, i)),
        pl.BlockSpec((_H, 128), lambda i: (0, 0)),
        pl.BlockSpec((1, 128), lambda i: (0, 0)),
    ],
    out_specs=[
        pl.BlockSpec((_BLK,), lambda i: (i,)),
        pl.BlockSpec((128,), lambda i: (0,)),
    ],
    out_shape=[
        jax.ShapeDtypeStruct((_NPAD,), jnp.float32),
        jax.ShapeDtypeStruct((128,), jnp.float32),
    ],
)


def _sc_body(idx_hbm, fld_hbm, val_hbm, e_hbm, ftab_hbm, b_hbm, out_hbm,
             idx_v, fld_v, val_v, eg_v, ftab_v, b_v, out_v, gsem):
    wid = lax.axis_index("s") * _NC + lax.axis_index("c")
    c0 = wid * _RPW
    pltpu.sync_copy(idx_hbm.at[:, pl.ds(c0, _RPW)], idx_v)

    def _fire(l, c):
        pltpu.make_async_copy(e_hbm.at[idx_v.at[l]], eg_v.at[l], gsem).start()
        return c

    lax.fori_loop(0, _L, _fire, 0)
    pltpu.sync_copy(fld_hbm.at[:, pl.ds(c0, _RPW)], fld_v)
    pltpu.sync_copy(val_hbm.at[:, pl.ds(c0, _RPW)], val_v)
    pltpu.sync_copy(ftab_hbm, ftab_v)
    pltpu.sync_copy(b_hbm, b_v)

    bias = b_v[...]

    def _row(l, accs):
        pltpu.make_async_copy(e_hbm.at[idx_v.at[l]], eg_v.at[l], gsem).wait()
        out = []
        for g in range(_GRP):
            sl = pl.ds(g * _LN, _LN)
            ev = eg_v[l, sl]
            vv = val_v[l, sl]
            fid = fld_v[l, sl]
            fv = plsc.load_gather(ftab_v, [fid])
            out.append(accs[g] + vv * (ev + fv))
        return tuple(out)

    accs = lax.fori_loop(
        0, _L, _row, tuple(jnp.zeros((_LN,), jnp.float32) for _ in range(_GRP)))
    for g in range(_GRP):
        out_v[pl.ds(g * _LN, _LN)] = accs[g] + bias
    pltpu.sync_copy(out_v, out_hbm.at[pl.ds(wid * _RPW, _RPW)])


_sc_call = pl.kernel(
    _sc_body,
    out_type=jax.ShapeDtypeStruct((_B,), jnp.float32),
    mesh=plsc.VectorSubcoreMesh(core_axis_name="c", subcore_axis_name="s"),
    compiler_params=pltpu.CompilerParams(needs_layout_passes=False),
    scratch_types=[
        pltpu.VMEM((_L, _RPW), jnp.int32),
        pltpu.VMEM((_L, _RPW), jnp.int32),
        pltpu.VMEM((_L, _RPW), jnp.float32),
        pltpu.VMEM((_L, _RPW), jnp.float32),
        pltpu.VMEM((128,), jnp.float32),
        pltpu.VMEM((_LN,), jnp.float32),
        pltpu.VMEM((_RPW,), jnp.float32),
        pltpu.SemaphoreType.DMA,
    ],
)


def kernel(index, value, field, emb_table, field_table, W, b):
    e_tab, f_tab = _mv_call(emb_table.T, field_table.T, W.T)
    b16 = jnp.broadcast_to(b, (_LN,))
    return _sc_call(index.T, field.T, value.T, e_tab, f_tab, b16)

# --- scband reference (transcript-rebuilt; emitter-appended) ---
"""Pipeline reference for scband-deep-25237227831980 (READ-ONLY COPY).

The authoritative reference and input builder live on the scoring server;
editing this copy changes nothing except your own understanding.
"""

import jax, jax.numpy as jnp
import numpy as np

FEATURE_DICT_SIZE = 1000000
FIELD_DICT_SIZE = 100
HIDDEN = 64
EMB_DIM = 2 * HIDDEN  # feature emb concat field emb
B, L = 4096, 100


def setup_inputs(seed: int = 0) -> dict:
    key = jax.random.key(seed)
    k1, k2, k3, k4, k5, k6 = jax.random.split(key, 6)
    index = jax.random.randint(k1, (B, L), 0, FEATURE_DICT_SIZE + 1, dtype=jnp.int64 if jax.config.jax_enable_x64 else jnp.int32)
    value = jax.random.uniform(k2, (B, L), dtype=jnp.float32)
    field = jax.random.randint(k3, (B, L), 0, FIELD_DICT_SIZE + 1, dtype=jnp.int64 if jax.config.jax_enable_x64 else jnp.int32)
    emb_table = jax.random.normal(k4, (FEATURE_DICT_SIZE + 1, HIDDEN), dtype=jnp.float32) * 0.01
    field_table = jax.random.normal(k5, (FIELD_DICT_SIZE + 1, HIDDEN), dtype=jnp.float32) * 0.01
    kW, kb = jax.random.split(k6)
    W = jax.random.normal(kW, (EMB_DIM, 1), dtype=jnp.float32) * (1.0 / np.sqrt(EMB_DIM))
    b = jnp.zeros((1,), dtype=jnp.float32)
    return {"index": index, "value": value, "field": field,
            "emb_table": emb_table, "field_table": field_table, "W": W, "b": b}


def reference(index, value, field, emb_table, field_table, W, b):
    # x = self.emb(ids)
    x = jnp.take(emb_table, index, axis=0)            # [B, L, H]
    # field_emb concat (FLAGS.field_emb = True)
    fx = jnp.take(field_table, field, axis=0)         # [B, L, H]
    x = jnp.concatenate([x, fx], axis=-1)             # [B, L, 2H]
    # deep_addval: multiply by expanded values
    x = x * value[..., None]                          # [B, L, 2H]
    # pooling == 'allsum': sum over sequence axis
    x = jnp.sum(x, axis=1)                            # [B, 2H]
    # final dense to 1, no activation
    x = x @ W + b                                     # [B, 1]
    return jnp.squeeze(x, -1)                         # [B]

if __name__ == "__main__":
    import jax
    _d = setup_inputs()
    print(jax.jit(kernel)(*tuple(_d.values())))

</pallas_src>

<mosaic_0001>
#map = affine_map<(d0, d1) -> (0, 0)>
#map1 = affine_map<(d0, d1) -> (0)>
module attributes {stable_mosaic.version = 14 : i64} {
  func.func @_sc_body(%arg0: i32, %arg1: i32, %arg2: memref<100x4096xi32, #tpu.memory_space<hbm>>, %arg3: memref<100x4096xi32, #tpu.memory_space<hbm>>, %arg4: memref<100x4096xf32, #tpu.memory_space<hbm>>, %arg5: memref<1015808xf32, #tpu.memory_space<hbm>>, %arg6: memref<128xf32, #tpu.memory_space<hbm>>, %arg7: memref<16xf32, #tpu.memory_space<hbm>>, %arg8: memref<4096xf32, #tpu.memory_space<hbm>>, %arg9: memref<100x128xi32, #tpu.memory_space<vmem>>, %arg10: memref<100x128xi32, #tpu.memory_space<vmem>>, %arg11: memref<100x128xf32, #tpu.memory_space<vmem>>, %arg12: memref<100x128xf32, #tpu.memory_space<vmem>>, %arg13: memref<128xf32, #tpu.memory_space<vmem>>, %arg14: memref<16xf32, #tpu.memory_space<vmem>>, %arg15: memref<128xf32, #tpu.memory_space<vmem>>, %arg16: memref<!tpu.dma_semaphore, #tpu.memory_space<semaphore_mem>>) attributes {dimension_semantics = [#tpu.dimension_semantics<core_parallel>, #tpu.dimension_semantics<subcore_parallel>], iteration_bounds = array<i64: 2, 16>, scalar_prefetch = 0 : i64, scratch_operands = 8 : i64, tpu.core_type = #tpu.core_type<sc_vector_subcore>, window_params = [{transform_indices = #map}, {transform_indices = #map}, {transform_indices = #map}, {transform_indices = #map1}, {transform_indices = #map1}, {transform_indices = #map1}, {transform_indices = #map1}]} {
    %mul3A = arith.constant 2 : i32
    %mul3A_0 = arith.muli %arg1, %mul3A : i32
    %add3A = arith.addi %mul3A_0, %arg0 : i32
    %mul3A_1 = arith.constant 128 : i32
    %mul3A_2 = arith.muli %add3A, %mul3A_1 : i32
    "tpu.region"() ({
      %run_scoped3A = tpu.sem_alloc : memref<!tpu.dma_semaphore, #tpu.memory_space<semaphore_mem>>
      %dma_start3A = arith.constant 0 : i32
      %dma_start3A_55 = tpu.memref_slice %arg2[%dma_start3A, %mul3A_2] : memref<100x4096xi32, #tpu.memory_space<hbm>> -> memref<100x128xi32, #tpu.memory_space<hbm>>
      %dma_start3A_56 = arith.constant 0 : i32
      %dma_start3A_57 = tpu.memref_slice %arg2[%dma_start3A_56, %mul3A_2] : memref<100x4096xi32, #tpu.memory_space<hbm>> -> memref<100x128xi32, #tpu.memory_space<hbm>>
      tpu.enqueue_dma source(%dma_start3A_57 : memref<100x128xi32, #tpu.memory_space<hbm>>) target(%arg9 : memref<100x128xi32, #tpu.memory_space<vmem>>) target_semaphore(%run_scoped3A : memref<!tpu.dma_semaphore, #tpu.memory_space<semaphore_mem>>)
      %dma_wait3A = arith.constant 0 : i32
      %dma_wait3A_58 = tpu.memref_slice %arg2[%dma_wait3A, %mul3A_2] : memref<100x4096xi32, #tpu.memory_space<hbm>> -> memref<100x128xi32, #tpu.memory_space<hbm>>
      %dma_wait3A_59 = arith.constant 0 : i32
      %dma_wait3A_60 = tpu.memref_slice %arg2[%dma_wait3A_59, %mul3A_2] : memref<100x4096xi32, #tpu.memory_space<hbm>> -> memref<100x128xi32, #tpu.memory_space<hbm>>
      tpu.wait_dma2 semaphore(%run_scoped3A : memref<!tpu.dma_semaphore, #tpu.memory_space<semaphore_mem>>) src(%dma_wait3A_60 : memref<100x128xi32, #tpu.memory_space<hbm>>) dst(%arg9 : memref<100x128xi32, #tpu.memory_space<vmem>>)
      tpu.yield
    }) : () -> ()
    %scan3A = arith.constant 0 : i32
    %scan3A_3 = arith.constant 0 : i32
    %scan3A_4 = arith.constant 100 : i32
    %scan3A_5 = arith.addi %scan3A_3, %scan3A_4 : i32
    %scan3A_6 = arith.constant 1 : i32
    scf.for %scan3A_55 = %scan3A_3 to %scan3A_5 step %scan3A_6  : i32 {
      %dma_start3A = arith.constant 0 : i32
      %dma_start3A_56 = tpu.memref_slice %arg12[%scan3A_55, %dma_start3A] : memref<100x128xf32, #tpu.memory_space<vmem>> -> memref<1x128xf32, #tpu.memory_space<vmem>>
      %dma_start3A_57 = tpu.memref_squeeze %dma_start3A_56 : memref<1x128xf32, #tpu.memory_space<vmem>> -> memref<128xf32, #tpu.memory_space<vmem>>
      %dma_start3A_58 = arith.constant 0 : i32
      %dma_start3A_59 = tpu.memref_slice %arg9[%scan3A_55, %dma_start3A_58] : memref<100x128xi32, #tpu.memory_space<vmem>> -> memref<1x128xi32, #tpu.memory_space<vmem>>
      %dma_start3A_60 = tpu.memref_squeeze %dma_start3A_59 : memref<1x128xi32, #tpu.memory_space<vmem>> -> memref<128xi32, #tpu.memory_space<vmem>>
      %dma_start3A_61 = arith.constant 0 : i32
      %dma_start3A_62 = tpu.memref_slice %arg5[%dma_start3A_61] : memref<1015808xf32, #tpu.memory_space<hbm>> -> memref<1015808xf32, #tpu.memory_space<hbm>>
      tpu.enqueue_indirect_dma source(%dma_start3A_62 : memref<1015808xf32, #tpu.memory_space<hbm>>) target(%dma_start3A_57 : memref<128xf32, #tpu.memory_space<vmem>>) offsets(%dma_start3A_60 : memref<128xi32, #tpu.memory_space<vmem>>) semaphore(%arg16 : memref<!tpu.dma_semaphore, #tpu.memory_space<semaphore_mem>>)
    }
    %scan3A_7 = arith.constant 100 : i32
    "tpu.region"() ({
      %run_scoped3A = tpu.sem_alloc : memref<!tpu.dma_semaphore, #tpu.memory_space<semaphore_mem>>
      %dma_start3A = arith.constant 0 : i32
      %dma_start3A_55 = tpu.memref_slice %arg3[%dma_start3A, %mul3A_2] : memref<100x4096xi32, #tpu.memory_space<hbm>> -> memref<100x128xi32, #tpu.memory_space<hbm>>
      %dma_start3A_56 = arith.constant 0 : i32
      %dma_start3A_57 = tpu.memref_slice %arg3[%dma_start3A_56, %mul3A_2] : memref<100x4096xi32, #tpu.memory_space<hbm>> -> memref<100x128xi32, #tpu.memory_space<hbm>>
      tpu.enqueue_dma source(%dma_start3A_57 : memref<100x128xi32, #tpu.memory_space<hbm>>) target(%arg10 : memref<100x128xi32, #tpu.memory_space<vmem>>) target_semaphore(%run_scoped3A : memref<!tpu.dma_semaphore, #tpu.memory_space<semaphore_mem>>)
      %dma_wait3A = arith.constant 0 : i32
      %dma_wait3A_58 = tpu.memref_slice %arg3[%dma_wait3A, %mul3A_2] : memref<100x4096xi32, #tpu.memory_space<hbm>> -> memref<100x128xi32, #tpu.memory_space<hbm>>
      %dma_wait3A_59 = arith.constant 0 : i32
      %dma_wait3A_60 = tpu.memref_slice %arg3[%dma_wait3A_59, %mul3A_2] : memref<100x4096xi32, #tpu.memory_space<hbm>> -> memref<100x128xi32, #tpu.memory_space<hbm>>
      tpu.wait_dma2 semaphore(%run_scoped3A : memref<!tpu.dma_semaphore, #tpu.memory_space<semaphore_mem>>) src(%dma_wait3A_60 : memref<100x128xi32, #tpu.memory_space<hbm>>) dst(%arg10 : memref<100x128xi32, #tpu.memory_space<vmem>>)
      tpu.yield
    }) : () -> ()
    "tpu.region"() ({
      %run_scoped3A = tpu.sem_alloc : memref<!tpu.dma_semaphore, #tpu.memory_space<semaphore_mem>>
      %dma_start3A = arith.constant 0 : i32
      %dma_start3A_55 = tpu.memref_slice %arg4[%dma_start3A, %mul3A_2] : memref<100x4096xf32, #tpu.memory_space<hbm>> -> memref<100x128xf32, #tpu.memory_space<hbm>>
      %dma_start3A_56 = arith.constant 0 : i32
      %dma_start3A_57 = tpu.memref_slice %arg4[%dma_start3A_56, %mul3A_2] : memref<100x4096xf32, #tpu.memory_space<hbm>> -> memref<100x128xf32, #tpu.memory_space<hbm>>
      tpu.enqueue_dma source(%dma_start3A_57 : memref<100x128xf32, #tpu.memory_space<hbm>>) target(%arg11 : memref<100x128xf32, #tpu.memory_space<vmem>>) target_semaphore(%run_scoped3A : memref<!tpu.dma_semaphore, #tpu.memory_space<semaphore_mem>>)
      %dma_wait3A = arith.constant 0 : i32
      %dma_wait3A_58 = tpu.memref_slice %arg4[%dma_wait3A, %mul3A_2] : memref<100x4096xf32, #tpu.memory_space<hbm>> -> memref<100x128xf32, #tpu.memory_space<hbm>>
      %dma_wait3A_59 = arith.constant 0 : i32
      %dma_wait3A_60 = tpu.memref_slice %arg4[%dma_wait3A_59, %mul3A_2] : memref<100x4096xf32, #tpu.memory_space<hbm>> -> memref<100x128xf32, #tpu.memory_space<hbm>>
      tpu.wait_dma2 semaphore(%run_scoped3A : memref<!tpu.dma_semaphore, #tpu.memory_space<semaphore_mem>>) src(%dma_wait3A_60 : memref<100x128xf32, #tpu.memory_space<hbm>>) dst(%arg11 : memref<100x128xf32, #tpu.memory_space<vmem>>)
      tpu.yield
    }) : () -> ()
    "tpu.region"() ({
      %run_scoped3A = tpu.sem_alloc : memref<!tpu.dma_semaphore, #tpu.memory_space<semaphore_mem>>
      tpu.enqueue_dma source(%arg6 : memref<128xf32, #tpu.memory_space<hbm>>) target(%arg13 : memref<128xf32, #tpu.memory_space<vmem>>) target_semaphore(%run_scoped3A : memref<!tpu.dma_semaphore, #tpu.memory_space<semaphore_mem>>)
      tpu.wait_dma2 semaphore(%run_scoped3A : memref<!tpu.dma_semaphore, #tpu.memory_space<semaphore_mem>>) src(%arg6 : memref<128xf32, #tpu.memory_space<hbm>>) dst(%arg13 : memref<128xf32, #tpu.memory_space<vmem>>)
      tpu.yield
    }) : () -> ()
    "tpu.region"() ({
      %run_scoped3A = tpu.sem_alloc : memref<!tpu.dma_semaphore, #tpu.memory_space<semaphore_mem>>
      tpu.enqueue_dma source(%arg7 : memref<16xf32, #tpu.memory_space<hbm>>) target(%arg14 : memref<16xf32, #tpu.memory_space<vmem>>) target_semaphore(%run_scoped3A : memref<!tpu.dma_semaphore, #tpu.memory_space<semaphore_mem>>)
      tpu.wait_dma2 semaphore(%run_scoped3A : memref<!tpu.dma_semaphore, #tpu.memory_space<semaphore_mem>>) src(%arg7 : memref<16xf32, #tpu.memory_space<hbm>>) dst(%arg14 : memref<16xf32, #tpu.memory_space<vmem>>)
      tpu.yield
    }) : () -> ()
    %get3A = arith.constant 0 : index
    %get3A_8 = tpu.vector_load %arg14[%get3A] {strides = array<i32>} : memref<16xf32, #tpu.memory_space<vmem>>, vector<16xf32>,
    %broadcast_in_dim3A = arith.constant 0.000000e+00 : f32
    %broadcast_in_dim3A_9 = vector.broadcast %broadcast_in_dim3A : f32 to vector<16xf32>
    %broadcast_in_dim3A_10 = arith.constant 0.000000e+00 : f32
    %broadcast_in_dim3A_11 = vector.broadcast %broadcast_in_dim3A_10 : f32 to vector<16xf32>
    %broadcast_in_dim3A_12 = arith.constant 0.000000e+00 : f32
    %broadcast_in_dim3A_13 = vector.broadcast %broadcast_in_dim3A_12 : f32 to vector<16xf32>
    %broadcast_in_dim3A_14 = arith.constant 0.000000e+00 : f32
    %broadcast_in_dim3A_15 = vector.broadcast %broadcast_in_dim3A_14 : f32 to vector<16xf32>
    %broadcast_in_dim3A_16 = arith.constant 0.000000e+00 : f32
    %broadcast_in_dim3A_17 = vector.broadcast %broadcast_in_dim3A_16 : f32 to vector<16xf32>
    %broadcast_in_dim3A_18 = arith.constant 0.000000e+00 : f32
    %broadcast_in_dim3A_19 = vector.broadcast %broadcast_in_dim3A_18 : f32 to vector<16xf32>
    %broadcast_in_dim3A_20 = arith.constant 0.000000e+00 : f32
    %broadcast_in_dim3A_21 = vector.broadcast %broadcast_in_dim3A_20 : f32 to vector<16xf32>
    %broadcast_in_dim3A_22 = arith.constant 0.000000e+00 : f32
    %broadcast_in_dim3A_23 = vector.broadcast %broadcast_in_dim3A_22 : f32 to vector<16xf32>
    %scan3A_24 = arith.constant 0 : i32
    %scan3A_25 = arith.constant 100 : i32
    %scan3A_26 = arith.addi %scan3A_24, %scan3A_25 : i32
    %scan3A_27 = arith.constant 1 : i32
    %scan3A_28:8 = scf.for %scan3A_55 = %scan3A_24 to %scan3A_26 step %scan3A_27 iter_args(%scan3A_56 = %broadcast_in_dim3A_9, %scan3A_57 = %broadcast_in_dim3A_11, %scan3A_58 = %broadcast_in_dim3A_13, %scan3A_59 = %broadcast_in_dim3A_15, %scan3A_60 = %broadcast_in_dim3A_17, %scan3A_61 = %broadcast_in_dim3A_19, %scan3A_62 = %broadcast_in_dim3A_21, %scan3A_63 = %broadcast_in_dim3A_23) -> (vector<16xf32>, vector<16xf32>, vector<16xf32>, vector<16xf32>, vector<16xf32>, vector<16xf32>, vector<16xf32>, vector<16xf32>)  : i32 {
      %dma_wait3A = arith.constant 0 : i32
      %dma_wait3A_64 = tpu.memref_slice %arg12[%scan3A_55, %dma_wait3A] : memref<100x128xf32, #tpu.memory_space<vmem>> -> memref<1x128xf32, #tpu.memory_space<vmem>>
      %dma_wait3A_65 = tpu.memref_squeeze %dma_wait3A_64 : memref<1x128xf32, #tpu.memory_space<vmem>> -> memref<128xf32, #tpu.memory_space<vmem>>
      %dma_wait3A_66 = arith.constant 0 : i32
      %dma_wait3A_67 = tpu.memref_slice %arg9[%scan3A_55, %dma_wait3A_66] : memref<100x128xi32, #tpu.memory_space<vmem>> -> memref<1x128xi32, #tpu.memory_space<vmem>>
      %dma_wait3A_68 = tpu.memref_squeeze %dma_wait3A_67 : memref<1x128xi32, #tpu.memory_space<vmem>> -> memref<128xi32, #tpu.memory_space<vmem>>
      %dma_wait3A_69 = arith.constant 0 : i32
      %dma_wait3A_70 = tpu.memref_slice %arg5[%dma_wait3A_69] : memref<1015808xf32, #tpu.memory_space<hbm>> -> memref<1015808xf32, #tpu.memory_space<hbm>>
      tpu.wait_indirect_dma semaphore(%arg16 : memref<!tpu.dma_semaphore, #tpu.memory_space<semaphore_mem>>) src(%dma_wait3A_70 : memref<1015808xf32, #tpu.memory_space<hbm>>) dst(%dma_wait3A_65 : memref<128xf32, #tpu.memory_space<vmem>>)
      %get3A_71 = arith.index_cast %scan3A_55 : i32 to index
      %get3A_72 = arith.constant 0 : index
      %get3A_73 = tpu.vector_load %arg12[%get3A_71, %get3A_72] {strides = array<i32>} : memref<100x128xf32, #tpu.memory_space<vmem>>, vector<16xf32>,
      %get3A_74 = arith.index_cast %scan3A_55 : i32 to index
      %get3A_75 = arith.constant 0 : index
      %get3A_76 = tpu.vector_load %arg11[%get3A_74, %get3A_75] {strides = array<i32>} : memref<100x128xf32, #tpu.memory_space<vmem>>, vector<16xf32>,
      %get3A_77 = arith.index_cast %scan3A_55 : i32 to index
      %get3A_78 = arith.constant 0 : index
      %get3A_79 = tpu.vector_load %arg10[%get3A_77, %get3A_78] {strides = array<i32>} : memref<100x128xi32, #tpu.memory_space<vmem>>, vector<16xi32>,
      %gather3A = tpu.vector_load_idx %arg13[%get3A_79] : memref<128xf32, #tpu.memory_space<vmem>>[vector<16xi32>], vector<16xf32>,
      %add3A_80 = arith.addf %get3A_73, %gather3A : vector<16xf32>
      %mul3A_81 = arith.mulf %get3A_76, %add3A_80 : vector<16xf32>
      %add3A_82 = arith.addf %scan3A_56, %mul3A_81 : vector<16xf32>
      %get3A_83 = arith.index_cast %scan3A_55 : i32 to index
      %get3A_84 = arith.constant 16 : index
      %get3A_85 = tpu.vector_load %arg12[%get3A_83, %get3A_84] {strides = array<i32>} : memref<100x128xf32, #tpu.memory_space<vmem>>, vector<16xf32>,
      %get3A_86 = arith.index_cast %scan3A_55 : i32 to index
      %get3A_87 = arith.constant 16 : index
      %get3A_88 = tpu.vector_load %arg11[%get3A_86, %get3A_87] {strides = array<i32>} : memref<100x128xf32, #tpu.memory_space<vmem>>, vector<16xf32>,
      %get3A_89 = arith.index_cast %scan3A_55 : i32 to index
      %get3A_90 = arith.constant 16 : index
      %get3A_91 = tpu.vector_load %arg10[%get3A_89, %get3A_90] {strides = array<i32>} : memref<100x128xi32, #tpu.memory_space<vmem>>, vector<16xi32>,
      %gather3A_92 = tpu.vector_load_idx %arg13[%get3A_91] : memref<128xf32, #tpu.memory_space<vmem>>[vector<16xi32>], vector<16xf32>,
      %add3A_93 = arith.addf %get3A_85, %gather3A_92 : vector<16xf32>
      %mul3A_94 = arith.mulf %get3A_88, %add3A_93 : vector<16xf32>
      %add3A_95 = arith.addf %scan3A_57, %mul3A_94 : vector<16xf32>
      %get3A_96 = arith.index_cast %scan3A_55 : i32 to index
      %get3A_97 = arith.constant 32 : index
      %get3A_98 = tpu.vector_load %arg12[%get3A_96, %get3A_97] {strides = array<i32>} : memref<100x128xf32, #tpu.memory_space<vmem>>, vector<16xf32>,
      %get3A_99 = arith.index_cast %scan3A_55 : i32 to index
      %get3A_100 = arith.constant 32 : index
      %get3A_101 = tpu.vector_load %arg11[%get3A_99, %get3A_100] {strides = array<i32>} : memref<100x128xf32, #tpu.memory_space<vmem>>, vector<16xf32>,
      %get3A_102 = arith.index_cast %scan3A_55 : i32 to index
      %get3A_103 = arith.constant 32 : index
      %get3A_104 = tpu.vector_load %arg10[%get3A_102, %get3A_103] {strides = array<i32>} : memref<100x128xi32, #tpu.memory_space<vmem>>, vector<16xi32>,
      %gather3A_105 = tpu.vector_load_idx %arg13[%get3A_104] : memref<128xf32, #tpu.memory_space<vmem>>[vector<16xi32>], vector<16xf32>,
      %add3A_106 = arith.addf %get3A_98, %gather3A_105 : vector<16xf32>
      %mul3A_107 = arith.mulf %get3A_101, %add3A_106 : vector<16xf32>
      %add3A_108 = arith.addf %scan3A_58, %mul3A_107 : vector<16xf32>
      %get3A_109 = arith.index_cast %scan3A_55 : i32 to index
      %get3A_110 = arith.constant 48 : index
      %get3A_111 = tpu.vector_load %arg12[%get3A_109, %get3A_110] {strides = array<i32>} : memref<100x128xf32, #tpu.memory_space<vmem>>, vector<16xf32>,
      %get3A_112 = arith.index_cast %scan3A_55 : i32 to index
      %get3A_113 = arith.constant 48 : index
      %get3A_114 = tpu.vector_load %arg11[%get3A_112, %get3A_113] {strides = array<i32>} : memref<100x128xf32, #tpu.memory_space<vmem>>, vector<16xf32>,
      %get3A_115 = arith.index_cast %scan3A_55 : i32 to index
      %get3A_116 = arith.constant 48 : index
      %get3A_117 = tpu.vector_load %arg10[%get3A_115, %get3A_116] {strides = array<i32>} : memref<100x128xi32, #tpu.memory_space<vmem>>, vector<16xi32>,
      %gather3A_118 = tpu.vector_load_idx %arg13[%get3A_117] : memref<128xf32, #tpu.memory_space<vmem>>[vector<16xi32>], vector<16xf32>,
      %add3A_119 = arith.addf %get3A_111, %gather3A_118 : vector<16xf32>
      %mul3A_120 = arith.mulf %get3A_114, %add3A_119 : vector<16xf32>
      %add3A_121 = arith.addf %scan3A_59, %mul3A_120 : vector<16xf32>
      %get3A_122 = arith.index_cast %scan3A_55 : i32 to index
      %get3A_123 = arith.constant 64 : index
      %get3A_124 = tpu.vector_load %arg12[%get3A_122, %get3A_123] {strides = array<i32>} : memref<100x128xf32, #tpu.memory_space<vmem>>, vector<16xf32>,
      %get3A_125 = arith.index_cast %scan3A_55 : i32 to index
      %get3A_126 = arith.constant 64 : index
      %get3A_127 = tpu.vector_load %arg11[%get3A_125, %get3A_126] {strides = array<i32>} : memref<100x128xf32, #tpu.memory_space<vmem>>, vector<16xf32>,
      %get3A_128 = arith.index_cast %scan3A_55 : i32 to index
      %get3A_129 = arith.constant 64 : index
      %get3A_130 = tpu.vector_load %arg10[%get3A_128, %get3A_129] {strides = array<i32>} : memref<100x128xi32, #tpu.memory_space<vmem>>, vector<16xi32>,
      %gather3A_131 = tpu.vector_load_idx %arg13[%get3A_130] : memref<128xf32, #tpu.memory_space<vmem>>[vector<16xi32>], vector<16xf32>,
      %add3A_132 = arith.addf %get3A_124, %gather3A_131 : vector<16xf32>
      %mul3A_133 = arith.mulf %get3A_127, %add3A_132 : vector<16xf32>
      %add3A_134 = arith.addf %scan3A_60, %mul3A_133 : vector<16xf32>
      %get3A_135 = arith.index_cast %scan3A_55 : i32 to index
      %get3A_136 = arith.constant 80 : index
      %get3A_137 = tpu.vector_load %arg12[%get3A_135, %get3A_136] {strides = array<i32>} : memref<100x128xf32, #tpu.memory_space<vmem>>, vector<16xf32>,
      %get3A_138 = arith.index_cast %scan3A_55 : i32 to index
      %get3A_139 = arith.constant 80 : index
      %get3A_140 = tpu.vector_load %arg11[%get3A_138, %get3A_139] {strides = array<i32>} : memref<100x128xf32, #tpu.memory_space<vmem>>, vector<16xf32>,
      %get3A_141 = arith.index_cast %scan3A_55 : i32 to index
      %get3A_142 = arith.constant 80 : index
      %get3A_143 = tpu.vector_load %arg10[%get3A_141, %get3A_142] {strides = array<i32>} : memref<100x128xi32, #tpu.memory_space<vmem>>, vector<16xi32>,
      %gather3A_144 = tpu.vector_load_idx %arg13[%get3A_143] : memref<128xf32, #tpu.memory_space<vmem>>[vector<16xi32>], vector<16xf32>,
      %add3A_145 = arith.addf %get3A_137, %gather3A_144 : vector<16xf32>
      %mul3A_146 = arith.mulf %get3A_140, %add3A_145 : vector<16xf32>
      %add3A_147 = arith.addf %scan3A_61, %mul3A_146 : vector<16xf32>
      %get3A_148 = arith.index_cast %scan3A_55 : i32 to index
      %get3A_149 = arith.constant 96 : index
      %get3A_150 = tpu.vector_load %arg12[%get3A_148, %get3A_149] {strides = array<i32>} : memref<100x128xf32, #tpu.memory_space<vmem>>, vector<16xf32>,
      %get3A_151 = arith.index_cast %scan3A_55 : i32 to index
      %get3A_152 = arith.constant 96 : index
      %get3A_153 = tpu.vector_load %arg11[%get3A_151, %get3A_152] {strides = array<i32>} : memref<100x128xf32, #tpu.memory_space<vmem>>, vector<16xf32>,
      %get3A_154 = arith.index_cast %scan3A_55 : i32 to index
      %get3A_155 = arith.constant 96 : index
      %get3A_156 = tpu.vector_load %arg10[%get3A_154, %get3A_155] {strides = array<i32>} : memref<100x128xi32, #tpu.memory_space<vmem>>, vector<16xi32>,
      %gather3A_157 = tpu.vector_load_idx %arg13[%get3A_156] : memref<128xf32, #tpu.memory_space<vmem>>[vector<16xi32>], vector<16xf32>,
      %add3A_158 = arith.addf %get3A_150, %gather3A_157 : vector<16xf32>
      %mul3A_159 = arith.mulf %get3A_153, %add3A_158 : vector<16xf32>
      %add3A_160 = arith.addf %scan3A_62, %mul3A_159 : vector<16xf32>
      %get3A_161 = arith.index_cast %scan3A_55 : i32 to index
      %get3A_162 = arith.constant 112 : index
      %get3A_163 = tpu.vector_load %arg12[%get3A_161, %get3A_162] {strides = array<i32>} : memref<100x128xf32, #tpu.memory_space<vmem>>, vector<16xf32>,
      %get3A_164 = arith.index_cast %scan3A_55 : i32 to index
      %get3A_165 = arith.constant 112 : index
      %get3A_166 = tpu.vector_load %arg11[%get3A_164, %get3A_165] {strides = array<i32>} : memref<100x128xf32, #tpu.memory_space<vmem>>, vector<16xf32>,
      %get3A_167 = arith.index_cast %scan3A_55 : i32 to index
      %get3A_168 = arith.constant 112 : index
      %get3A_169 = tpu.vector_load %arg10[%get3A_167, %get3A_168] {strides = array<i32>} : memref<100x128xi32, #tpu.memory_space<vmem>>, vector<16xi32>,
      %gather3A_170 = tpu.vector_load_idx %arg13[%get3A_169] : memref<128xf32, #tpu.memory_space<vmem>>[vector<16xi32>], vector<16xf32>,
      %add3A_171 = arith.addf %get3A_163, %gather3A_170 : vector<16xf32>
      %mul3A_172 = arith.mulf %get3A_166, %add3A_171 : vector<16xf32>
      %add3A_173 = arith.addf %scan3A_63, %mul3A_172 : vector<16xf32>
      scf.yield %add3A_82, %add3A_95, %add3A_108, %add3A_121, %add3A_134, %add3A_147, %add3A_160, %add3A_173 : vector<16xf32>, vector<16xf32>, vector<16xf32>, vector<16xf32>, vector<16xf32>, vector<16xf32>, vector<16xf32>, vector<16xf32>
    }
    %scan3A_29 = arith.constant 100 : i32
    %add3A_30 = arith.addf %scan3A_28#0, %get3A_8 : vector<16xf32>
    %swap3A = arith.constant 0 : index
    %swap3A_31 = tpu.vector_load %arg15[%swap3A] {strides = array<i32>} : memref<128xf32, #tpu.memory_space<vmem>>, vector<16xf32>,
    tpu.vector_store %arg15[%swap3A], %add3A_30 {strides = array<i32>} : memref<128xf32, #tpu.memory_space<vmem>>, vector<16xf32>,
    %add3A_32 = arith.addf %scan3A_28#1, %get3A_8 : vector<16xf32>
    %swap3A_33 = arith.constant 16 : index
    %swap3A_34 = tpu.vector_load %arg15[%swap3A_33] {strides = array<i32>} : memref<128xf32, #tpu.memory_space<vmem>>, vector<16xf32>,
    tpu.vector_store %arg15[%swap3A_33], %add3A_32 {strides = array<i32>} : memref<128xf32, #tpu.memory_space<vmem>>, vector<16xf32>,
    %add3A_35 = arith.addf %scan3A_28#2, %get3A_8 : vector<16xf32>
    %swap3A_36 = arith.constant 32 : index
    %swap3A_37 = tpu.vector_load %arg15[%swap3A_36] {strides = array<i32>} : memref<128xf32, #tpu.memory_space<vmem>>, vector<16xf32>,
    tpu.vector_store %arg15[%swap3A_36], %add3A_35 {strides = array<i32>} : memref<128xf32, #tpu.memory_space<vmem>>, vector<16xf32>,
    %add3A_38 = arith.addf %scan3A_28#3, %get3A_8 : vector<16xf32>
    %swap3A_39 = arith.constant 48 : index
    %swap3A_40 = tpu.vector_load %arg15[%swap3A_39] {strides = array<i32>} : memref<128xf32, #tpu.memory_space<vmem>>, vector<16xf32>,
    tpu.vector_store %arg15[%swap3A_39], %add3A_38 {strides = array<i32>} : memref<128xf32, #tpu.memory_space<vmem>>, vector<16xf32>,
    %add3A_41 = arith.addf %scan3A_28#4, %get3A_8 : vector<16xf32>
    %swap3A_42 = arith.constant 64 : index
    %swap3A_43 = tpu.vector_load %arg15[%swap3A_42] {strides = array<i32>} : memref<128xf32, #tpu.memory_space<vmem>>, vector<16xf32>,
    tpu.vector_store %arg15[%swap3A_42], %add3A_41 {strides = array<i32>} : memref<128xf32, #tpu.memory_space<vmem>>, vector<16xf32>,
    %add3A_44 = arith.addf %scan3A_28#5, %get3A_8 : vector<16xf32>
    %swap3A_45 = arith.constant 80 : index
    %swap3A_46 = tpu.vector_load %arg15[%swap3A_45] {strides = array<i32>} : memref<128xf32, #tpu.memory_space<vmem>>, vector<16xf32>,
    tpu.vector_store %arg15[%swap3A_45], %add3A_44 {strides = array<i32>} : memref<128xf32, #tpu.memory_space<vmem>>, vector<16xf32>,
    %add3A_47 = arith.addf %scan3A_28#6, %get3A_8 : vector<16xf32>
    %swap3A_48 = arith.constant 96 : index
    %swap3A_49 = tpu.vector_load %arg15[%swap3A_48] {strides = array<i32>} : memref<128xf32, #tpu.memory_space<vmem>>, vector<16xf32>,
    tpu.vector_store %arg15[%swap3A_48], %add3A_47 {strides = array<i32>} : memref<128xf32, #tpu.memory_space<vmem>>, vector<16xf32>,
    %add3A_50 = arith.addf %scan3A_28#7, %get3A_8 : vector<16xf32>
    %swap3A_51 = arith.constant 112 : index
    %swap3A_52 = tpu.vector_load %arg15[%swap3A_51] {strides = array<i32>} : memref<128xf32, #tpu.memory_space<vmem>>, vector<16xf32>,
    tpu.vector_store %arg15[%swap3A_51], %add3A_50 {strides = array<i32>} : memref<128xf32, #tpu.memory_space<vmem>>, vector<16xf32>,
    %mul3A_53 = arith.constant 128 : i32
    %mul3A_54 = arith.muli %add3A, %mul3A_53 : i32
    "tpu.region"() ({
      %run_scoped3A = tpu.sem_alloc : memref<!tpu.dma_semaphore, #tpu.memory_space<semaphore_mem>>
      %dma_start3A = tpu.memref_slice %arg8[%mul3A_54] : memref<4096xf32, #tpu.memory_space<hbm>> -> memref<128xf32, #tpu.memory_space<hbm>>
      %dma_start3A_55 = tpu.memref_slice %arg8[%mul3A_54] : memref<4096xf32, #tpu.memory_space<hbm>> -> memref<128xf32, #tpu.memory_space<hbm>>
      tpu.enqueue_dma source(%arg15 : memref<128xf32, #tpu.memory_space<vmem>>) target(%dma_start3A_55 : memref<128xf32, #tpu.memory_space<hbm>>) target_semaphore(%run_scoped3A : memref<!tpu.dma_semaphore, #tpu.memory_space<semaphore_mem>>)
      %dma_wait3A = tpu.memref_slice %arg8[%mul3A_54] : memref<4096xf32, #tpu.memory_space<hbm>> -> memref<128xf32, #tpu.memory_space<hbm>>
      %dma_wait3A_56 = tpu.memref_slice %arg8[%mul3A_54] : memref<4096xf32, #tpu.memory_space<hbm>> -> memref<128xf32, #tpu.memory_space<hbm>>
      tpu.wait_dma2 semaphore(%run_scoped3A : memref<!tpu.dma_semaphore, #tpu.memory_space<semaphore_mem>>) src(%arg15 : memref<128xf32, #tpu.memory_space<vmem>>) dst(%dma_wait3A_56 : memref<128xf32, #tpu.memory_space<hbm>>)
      tpu.yield
    }) : () -> ()
    return
  }
}

module attributes {stable_mosaic.version = 14 : i64} {
  func.func @_mv_body(%arg0: i32, %arg1: memref<64x32768xf32, #tpu.memory_space<vmem>>, %arg2: memref<64x128xf32, #tpu.memory_space<vmem>>, %arg3: memref<1x128xf32, #tpu.memory_space<vmem>>, %arg4: memref<32768xf32, #tpu.memory_space<vmem>>, %arg5: memref<128xf32, #tpu.memory_space<vmem>>) attributes {dimension_semantics = [#tpu.dimension_semantics<arbitrary>], iteration_bounds = array<i64: 31>, scalar_prefetch = 0 : i64, scratch_operands = 0 : i64, tpu.core_type = #tpu.core_type<tc>, window_params = [{transform_indices = @transform_0, window_bounds = array<i64: 64, 32768>}, {transform_indices = @transform_1, window_bounds = array<i64: 64, 128>}, {pipeline_mode = #tpu.pipeline_mode<synchronous>, transform_indices = @transform_2, window_bounds = array<i64: 1, 128>}, {transform_indices = @transform_3, window_bounds = array<i64: 32768>}, {pipeline_mode = #tpu.pipeline_mode<synchronous>, transform_indices = @transform_4, window_bounds = array<i64: 128>}]} {
    %get3A = arith.constant 0 : index
    %get3A_0 = arith.constant 0 : index
    %get3A_1 = vector.load %arg3[%get3A, %get3A_0] : memref<1x128xf32, #tpu.memory_space<vmem>>, vector<1x128xf32>
    %transpose3A = tpu.transpose %get3A_1, [1, 0] : vector<1x128xf32> -> vector<128x1xf32>
    %get3A_2 = arith.constant 0 : index
    %get3A_3 = arith.constant 0 : index
    %get3A_4 = vector.load %arg1[%get3A_2, %get3A_3] : memref<64x32768xf32, #tpu.memory_space<vmem>>, vector<64x32768xf32>
    %slice3A = vector.extract_strided_slice %transpose3A {offsets = [0, 0], sizes = [64, 1], strides = [1, 1]} : vector<128x1xf32> to vector<64x1xf32>
    %mul3A = vector.broadcast %slice3A : vector<64x1xf32> to vector<64x32768xf32>
    %mul3A_5 = arith.mulf %get3A_4, %mul3A : vector<64x32768xf32>
    %reduce_sum3A = arith.constant dense<0.000000e+00> : vector<32768xf32>
    %reduce_sum3A_6 = vector.multi_reduction <add>, %mul3A_5, %reduce_sum3A [0] : vector<64x32768xf32> to vector<32768xf32>
    %swap3A = arith.constant 0 : index
    %swap3A_7 = vector.load %arg4[%swap3A] : memref<32768xf32, #tpu.memory_space<vmem>>, vector<32768xf32>
    tpu.vector_store %arg4[%swap3A], %reduce_sum3A_6 {strides = array<i32>} : memref<32768xf32, #tpu.memory_space<vmem>>, vector<32768xf32>,
    %get3A_8 = arith.constant 0 : index
    %get3A_9 = arith.constant 0 : index
    %get3A_10 = vector.load %arg2[%get3A_8, %get3A_9] : memref<64x128xf32, #tpu.memory_space<vmem>>, vector<64x128xf32>
    %slice3A_11 = vector.extract_strided_slice %transpose3A {offsets = [64, 0], sizes = [64, 1], strides = [1, 1]} : vector<128x1xf32> to vector<64x1xf32>
    %mul3A_12 = vector.broadcast %slice3A_11 : vector<64x1xf32> to vector<64x128xf32>
    %mul3A_13 = arith.mulf %get3A_10, %mul3A_12 : vector<64x128xf32>
    %reduce_sum3A_14 = arith.constant dense<0.000000e+00> : vector<128xf32>
    %reduce_sum3A_15 = vector.multi_reduction <add>, %mul3A_13, %reduce_sum3A_14 [0] : vector<64x128xf32> to vector<128xf32>
    %swap3A_16 = arith.constant 0 : index
    %swap3A_17 = vector.load %arg5[%swap3A_16] : memref<128xf32, #tpu.memory_space<vmem>>, vector<128xf32>
    tpu.vector_store %arg5[%swap3A_16], %reduce_sum3A_15 {strides = array<i32>} : memref<128xf32, #tpu.memory_space<vmem>>, vector<128xf32>,
    return
  }
  func.func @transform_0(%arg0: i32) -> (i32, i32) {
    %c0_i32 = arith.constant 0 : i32
    %c0_i32_0 = arith.constant 0 : i32
    return %c0_i32, %arg0 : i32, i32
  }
  func.func @transform_1(%arg0: i32) -> (i32, i32) {
    %c0_i32 = arith.constant 0 : i32
    %c0_i32_0 = arith.constant 0 : i32
    %c0_i32_1 = arith.constant 0 : i32
    return %c0_i32, %c0_i32_0 : i32, i32
  }
  func.func @transform_2(%arg0: i32) -> (i32, i32) {
    %c0_i32 = arith.constant 0 : i32
    %c0_i32_0 = arith.constant 0 : i32
    %c0_i32_1 = arith.constant 0 : i32
    return %c0_i32, %c0_i32_0 : i32, i32
  }
  func.func @transform_3(%arg0: i32) -> i32 {
    %c0_i32 = arith.constant 0 : i32
    return %arg0 : i32
  }
  func.func @transform_4(%arg0: i32) -> i32 {
    %c0_i32 = arith.constant 0 : i32
    %c0_i32_0 = arith.constant 0 : i32
    return %c0_i32 : i32
  }
}

</mosaic_0001>

<sc_bundles>
// kernel: kernel.4.cloned.1.call-start
scs
__scs_entry_jumppad:
0x0: {  	(pc) =	sbr.rel $0x88, $3  }
0x1: {  	(tag) =	ssettag $0x0;
	lr =	simm.s32 $0x1  }
0x2: {  	[smem:$0x3F9A] =	sst lr;
	_ =	strace $0xD0000000  }
0x3: {  	_ = 	snop  }
0x4: {  	_ = 	snop  }
0x5: {  	_ = 	snop  }
0x6: {  	_ = 	snop  }
0x7: {  	_ = 	snop  }
__scs_overlays_trampoline_lowered:
0x8: {  	[smem:$0x3FA9] =	sst s0  }
0x9: {  	[smem:$0x3FAA] =	sst s1  }
0xa: {  	[smem:$0x3FAB] =	sst s2  }
0xb: {  	[smem:$0x3FAC] =	sst s3  }
0xc: {  	[smem:$0x3FAD] =	sst s4  }
0xd: {  	[smem:$0x3FAE] =	sst s5  }
0xe: {  	[smem:$0x3FAF] =	sst s6  }
0xf: {  	[smem:$0x3FB0] =	sst s7  }
0x10: {  	[smem:$0x3FB1] =	sst s8  }
0x11: {  	[smem:$0x3FB2] =	sst s9;
	s0 =	simm.s32 @!p0 $0x0  }
0x12: {  	s1 =	sld [smem:$0x3F98];
	s0 =	simm.s32 @p0 $0x1  }
0x13: {  	[smem:$0x3FB3] =	sst s0;
	s0 =	simm.s32 @!p1 $0x0  }
0x14: {  	s2 =	sld [smem:$0x3F97];
	s0 =	simm.s32 @p1 $0x1  }
0x15: {  	[smem:$0x3FB4] =	sst s0;
	s0 =	simm.s32 @!p2 $0x0  }
0x16: {  	s3 =	sld [smem:$0x3FDB];
	s0 =	simm.s32 @p2 $0x1  }
0x17: {  	s4 =	simm.s32 $0x1BF5;
	[smem:$0x3FB6] =	sst s0  }
0x18: {  	s0 =	sld [smem:$0x3F99];
	_ =	swait.ge [sflag:s4], $0x0  }
0x19: {  	s7 =	sld [smem:$0x3F9A]  }
0x1a: {  	s8 =	sadd.s32 $0xFFFFE003, lr  }
0x1b: {  	s9 =	sadd.s32 $0xFFFFFEF7, lr;
	s5 =	simm.s32 $0xFFFFFFFF;
	p2 =	slt.u32 s8, $0xFFFFF086  }
0x1c: {  	p1 =	slt.u32 s9, $0xF7A;
	s5 =	simm.s32 @!p2 $0x0  }
0x1d: {  	s5 =	simm.s32 @p1 $0x1;
	p0 =	seq.s32 s7, s2  }
0x1e: {  	s7 =	smul.u32 @!p0 $0xF7A, s2;
	p2 =	seq.s32 @!p0 s5, $0x0  }
0x1f: {  	s9 =	smul.u32 $0xF7A, s1;
	s8 =	simm.s32 @!p0 $0x1BF5;
	p2 =	por !p2, p0  }
0x20: {  	[sflag:s8] =	ssyncset.s32 @!p0 $0xFFFFF086;
	s6 =	sadd.s32 @!p0 s3, s7;
	s7 =	simm.s32 @!p0 $0x108  }
0x21: {  	s3 =	sadd.s32 s3, s9;
	s6 =	sadd.s32 @!p0 $0x88, s6;
	s7 =	simm.s32 @p2 $0x1082  }
0x22: {  	[simem:s7], [sflag:s8] =	dma.local @!p0 [hbm:s6], $0xF7A  }
0x23: {  	s9 =	sor.u32 $0xD0000000, s2;
	s6 =	simm.s32 $0x108;
	_ =	swait.ge @!p0 [sflag:s8], $0x0  }
0x24: {  	s3 =	sadd.s32 $0x88, s3;
	s6 =	simm.s32 @!p1 $0x1082;
	[sflag:s4] =	ssyncset.s32 $0xFFFFF086  }
0x25: {  	[simem:s6], [sflag:s4] =	dma.local [hbm:s3], $0xF7A  }
0x26: {  	[smem:$0x3F9A] =	sst s1;
	(tag) =	ssettag s2;
	_ =	strace s9  }
0x27: {  	s1 =	sld [smem:$0x3FAA]  }
0x28: {  	s2 =	sld [smem:$0x3FAB]  }
0x29: {  	s4 =	sld [smem:$0x3FAD]  }
0x2a: {  	p0 =	seq.s32 s5, $0x0;
	s5 =	sld [smem:$0x3FAE]  }
0x2b: {  	s6 =	sld [smem:$0x3FAF]  }
0x2c: {  	s7 =	sld [smem:$0x3FB0]  }
0x2d: {  	s3 =	simm.s32 $0x108;
	s8 =	sld [smem:$0x3FB1]  }
0x2e: {  	s3 =	simm.s32 @!p0 $0x1082;
	s9 =	sld [smem:$0x3FB2]  }
0x2f: {  	lr =	sadd.s32 s0, s3;
	s0 =	sld [smem:$0x3FA9]  }
0x30: {  	s3 =	sld [smem:$0x3FAC]  }
0x31: {  	[smem:$0x3FB5] =	sst s10  }
0x32: {  	s10 =	sld [smem:$0x3FB3];
	_ =	sdelay $0x3  }
0x33: {  	p0 =	seq.s32 s10, $0x1;
	s10 =	sld [smem:$0x3FB5];
	_ =	sdelay $0x3  }
0x34: {  	[smem:$0x3FB5] =	sst s10  }
0x35: {  	s10 =	sld [smem:$0x3FB4];
	_ =	sdelay $0x3  }
0x36: {  	p1 =	seq.s32 s10, $0x1;
	s10 =	sld [smem:$0x3FB5];
	_ =	sdelay $0x3  }
0x37: {  	[smem:$0x3FB5] =	sst s10  }
0x38: {  	s10 =	sld [smem:$0x3FB6]  }
0x39: {  	_ = 	snop;
	(pc) =	sbr.ind lr, $3  }
0x3a: {  	_ = 	snop  }
0x3b: {  	_ = 	snop  }
0x3c: {  	p2 =	seq.s32 s10, $0x1;
	s10 =	sld [smem:$0x3FB5]  }
0x3d: {  	_ =	shalt  }
0x3e: {  	_ =	shalt  }
0x3f: {  	_ =	shalt  }
0x40: {  	_ =	shalt  }
0x41: {  	_ =	shalt  }
0x42: {  	_ =	shalt  }
0x43: {  	_ =	shalt  }
0x44: {  	_ =	shalt  }
0x45: {  	_ =	shalt  }
0x46: {  	_ =	shalt  }
0x47: {  	_ =	shalt  }
0x48: {  	_ =	shalt  }
0x49: {  	_ =	shalt  }
0x4a: {  	_ =	shalt  }
0x4b: {  	_ =	shalt  }
0x4c: {  	_ =	shalt  }
0x4d: {  	_ =	shalt  }
0x4e: {  	_ =	shalt  }
0x4f: {  	_ =	shalt  }
0x50: {  	_ =	shalt  }
0x51: {  	_ =	shalt  }
0x52: {  	_ =	shalt  }
0x53: {  	_ =	shalt  }
0x54: {  	_ =	shalt  }
0x55: {  	_ =	shalt  }
0x56: {  	_ =	shalt  }
0x57: {  	_ =	shalt  }
0x58: {  	_ =	shalt  }
0x59: {  	_ =	shalt  }
0x5a: {  	_ =	shalt  }
0x5b: {  	_ =	shalt  }
0x5c: {  	_ =	shalt  }
0x5d: {  	_ =	shalt  }
0x5e: {  	_ =	shalt  }
0x5f: {  	_ =	shalt  }
0x60: {  	_ =	shalt  }
0x61: {  	_ =	shalt  }
0x62: {  	_ =	shalt  }
0x63: {  	_ =	shalt  }
0x64: {  	_ =	shalt  }
0x65: {  	_ =	shalt  }
0x66: {  	_ =	shalt  }
0x67: {  	_ =	shalt  }
0x68: {  	_ =	shalt  }
0x69: {  	_ =	shalt  }
0x6a: {  	_ =	shalt  }
0x6b: {  	_ =	shalt  }
0x6c: {  	_ =	shalt  }
0x6d: {  	_ =	shalt  }
0x6e: {  	_ =	shalt  }
0x6f: {  	_ =	shalt  }
0x70: {  	_ =	shalt  }
0x71: {  	_ =	shalt  }
0x72: {  	_ =	shalt  }
0x73: {  	_ =	shalt  }
0x74: {  	_ =	shalt  }
0x75: {  	_ =	shalt  }
0x76: {  	_ =	shalt  }
0x77: {  	_ =	shalt  }
0x78: {  	_ =	shalt  }
0x79: {  	_ =	shalt  }
0x7a: {  	_ =	shalt  }
0x7b: {  	_ =	shalt  }
0x7c: {  	_ =	shalt  }
0x7d: {  	_ =	shalt  }
0x7e: {  	_ =	shalt  }
0x7f: {  	_ =	shalt  }
0x80: {  	_ =	shalt  }
0x81: {  	_ =	shalt  }
0x82: {  	_ =	shalt  }
0x83: {  	_ =	shalt  }
0x84: {  	_ =	shalt  }
0x85: {  	_ =	shalt  }
0x86: {  	_ =	shalt  }
0x87: {  	_ =	shalt  }
.Lfunc_end0:
.L_simem_size_0:
called_computation_lowered:
.L_overlay_start_0:
0x88: {  	s2 =	sld [smem:$0x3FD9]  }
0x89: {  	s3 =	sld [smem:$0x3FFE];
	_ =	sdelay $0x1  }
0x8a: {  	s1 =	srdreg.scid  }
0x8b: {  	s0 =	sand.u32 $0x1, s1  }
0x8c: {  	s17 =	sshll.u32 s0, $0xA;
	s2 =	sadd.s32 s3, s2  }
0x8d: {  	s2 =	sadd.s32 s2, s17  }
0x8e: {  	[smem:$0x3FC1] =	sst s2  }
0x8f: {  	_ = 	snop  }
0x90: {  	s2 =	sld [smem:$0x3FC9]  }
0x91: {  	s18 =	sld [smem:$0x3FC8]  }
0x92: {  	s4 =	sld [smem:$0x3FC7]  }
0x93: {  	s5 =	sld [smem:$0x3FD0];
	(tm) =	ssettm $0x1  }
0x94: {  	s6 =	sld [smem:$0x3FFB];
	_ =	sdelay $0x3  }
0x95: {  	_ =	strace s6  }
0x96: {  	s6 =	sld [smem:$0x3FFC];
	_ =	sdelay $0x3  }
0x97: {  	_ =	strace s6  }
0x98: {  	s6 =	sld [smem:$0x3FFD];
	_ =	sdelay $0x3  }
0x99: {  	_ =	strace s6  }
0x9a: {  	_ =	strace $0x8FFFFFFF  }
0x9b: {  	s19 =	sld [smem:$0x3FDB];
	_ =	sdelay $0x1  }
0x9c: {  	s7 =	simm.s32 $_scs_section_size  }
0x9d: {  	s8 =	simm.s32 $_size__tile_overlayer_lowered;
	s9 =	simm.s32 $_tile_overlayer_lowered  }
0x9e: {  	s22 =	simm.s32 $0x1BFF;
	s21 =	sshll.u32 s9, $0x1;
	s6 =	sadd.s32 s7, s19  }
0x9f: {  	s10 =	simm.s32 $0x0;
	s20 =	sshll.u32 s8, $0x1;
	s8 =	sadd.s32 s21, s6  }
0xa0: {  	[timem:s10], [sflag:s22] =	dma.local [hbm:s8], s20  }
0xa1: {  	_ =	swait.ge [sflag:s22], s20  }
0xa2: {  	s7 =	ssub.s32 $0x0, s20;
	[sflag:s22] =	ssyncset.done $0x0  }
0xa3: {  	[sflag:s22] =	ssyncadd.s32 s7;
	_ =	sdelay $0x1  }
0xa4: {  	s23 =	simm.s32 $0x1B8B  }
0xa5: {  	_ =	swait.ge [sflag:s23], $0x1  }
0xa6: {  	[sflag:s23] =	ssyncset.done $0x0  }
0xa7: {  	s25 =	simm.s32 $0x1B8E;
	s24 =	sld [smem:$0x3FFE];
	[sflag:s23] =	ssyncadd.s32 $0xFFFFFFFF  }
0xa8: {  	s26 =	simm.s32 $execute0_lowered;
	[smem:$0x3FD2] =	sst s25  }
0xa9: {  	s8 =	sshll.u32 s26, $0x1;
	_ =	strace $0x80000046;
	[dreg:$0x1] =	wrdreg $0xFFFFFFFF  }
0xaa: {  	s28 =	simm.s32 $_size_execute0_lowered;
	s6 =	sadd.s32 s6, s8;
	[dreg:$0x0] =	wrdreg $0x0  }
0xab: {  	s8 =	sshll.u32 s28, $0x1;
	[dreg:$0x2] =	wrdreg s6  }
0xac: {  	[dreg:$0x3] =	wrdreg s8  }
0xad: {  	[dreg:$0x4] =	wrdreg $0xC0  }
0xae: {  	_ =	task [dreg:s10], $0x5FFFF  }
0xaf: {  	[dreg:$0x1] =	wrdreg $0xFFFFFFFF  }
0xb0: {  	[dreg:$0x0] =	wrdreg $0x60  }
0xb1: {  	[dreg:$0x2] =	wrdreg s2  }
0xb2: {  	[dreg:$0x3] =	wrdreg s4  }
0xb3: {  	[dreg:$0x4] =	wrdreg s18  }
0xb4: {  	[dreg:$0x5] =	wrdreg s24  }
0xb5: {  	[dreg:$0x6] =	wrdreg s5  }
0xb6: {  	[dreg:$0x7] =	wrdreg $0x9  }
0xb7: {  	_ =	task.clear_ibuf [dreg:s10], $0x8FFFF;
	_ =	strace $0x90000046  }
0xb8: {  	s29 =	simm.s32 $0x9;
	_ =	strace $0x80000048  }
0xb9: {  	_ =	swait.ge [sflag:s29], $0x1  }
0xba: {  	[sflag:s29] =	ssyncadd.s32 $0xFFFFFFFF  }
0xbb: {  	_ =	strace $0x90000048  }
0xbc: {  	_ =	sfence  }
0xbd: {  	s30 =	sld [smem:$0x0];
	_ =	sdelay $0x2  }
0xbe: {  	s31 =	sshll.u32 s1, $0xD;
	s1 =	sshrl.u32 s1, $0x2  }
0xbf: {  	s3 =	sand.u32 $0x4000, s31;
	s1 =	sadd.s32 s1, s30  }
0xc0: {  	s0 =	sor.u32 s3, s0;
	s1 =	sshll.u32 s1, $0x11  }
0xc1: {  	s0 =	sor.u32 s1, s0  }
0xc2: {  	s0 =	sadd.s32 $0x8F2B, s0  }
0xc3: {  	[sflag:s0] =	ssyncadd.remote.s32 $0x1  }
0xc4: {  	_ =	sfence.sel $0xFFFF  }
0xc5: {  	[dreg:$0x0] =	wrdreg $0xFFFFFFFF;
	(pc) =	sbr.abs _section_cstart, $3  }
0xc6: {  	[dreg:$0x1] =	wrdreg $0xFFFFFFFF  }
0xc7: {  	_ =	task.clear_ibuf [dreg:s10], $0x2FFFF;
	_ =	strace $0x9FFFFFFF  }
0xc8: {  	(tm) =	ssettm $0x7FFFFFFF  }
0xc9: {  	_ =	shalt  }
tec
execute0_lowered:
.L_overlay_start_1:
0x0: {  	(tag) =	ssettag $0x1  }
0x1: {  	s5 =	rddreg [dreg:$0x0]  }
0x2: {  	s8 =	rddreg [dreg:$0x1]  }
0x3: {  	s9 =	rddreg [dreg:$0x2]  }
0x4: {  	s6 =	rddreg [dreg:$0x3]  }
0x5: {  	s10 =	rddreg [dreg:$0x4]  }
0x6: {  	s0 =	rddreg [dreg:$0x5];
	s2 =	simm.s32 $0x0;
	s3 =	srdreg.scid  }
0x7: {  	s1 =	stileid.u32;
	s14 =	simm.s32 $0x3000;
	s15 =	simm.s32 $0x2  }
0x8: {  	s16 =	simm.s32 $0x80;
	s17 =	simm.s32 $0x3400;
	s19 =	simm.s32 $0x6400  }
0x9: {  	s20 =	simm.s32 $0x6800;
	s22 =	simm.s32 $0x9800;
	s23 =	simm.s32 $0xD000  }
0xa: {  	s24 =	simm.s32 $0xD080;
	s25 =	simm.s32 $0x1;
	s26 =	simm.s32 $0xD100  }
0xb: {  	s28 =	simm.s32 $0x0;
	[smem:$0x7FF] =	sst s2;
	s4 =	sand.u32 $0x1, s3  }
0xc: {  	s31 =	sshll.u32 s1, $0x1;
	s3 =	sadd.s32 $0xE00, s6;
	_ =	strace $0x80000047  }
0xd: {  	s11 =	sor.u32 s4, s31;
	s7 =	ssub.s32 $0x2, s4;
	s4 =	sadd.s32 $0x1FE00, s6  }
0xe: {  	s6 =	sadd.s32 $0x20000, s6;
	s12 =	sshll.u32 s11, $0x7;
	s13 =	sshrl.u32 s7, $0x1  }
0xf: {  	s11 =	sshll.u32 s11, $0x4;
	s5 =	sadd.s32 s5, s12;
	s13 =	ssub.s32 s7, s13  }
0x10: {  	s8 =	sadd.s32 s8, s12;
	s9 =	sadd.s32 s9, s12;
	s10 =	sadd.s32 s10, s11  }
0x11: {  	s12 =	simm.s32 $0x400;
	s7 =	sadd.s32 $0xC000, s5;
	s11 =	smax.u32 s13, $0x1  }
0x12: {  	s13 =	simm.s32 $0x8000;
	s18 =	sadd.s32 $0xC000, s8;
	s21 =	sadd.s32 $0xC000, s9  }
.LBB2_1:
0x13: {  	[tilespmem:s2], [sflag:$0x2] =	stream.strided.gather [hbm4b:s5+s12], $0x3000, s13, s12, $0x38;
	[tilespmem:$0xD180] =	vst v63  }
0x14: {  	_ = 	snop  }
0x15: {  	[tilespmem:s14], [sflag:$0x2] =	stream.linear.gather [hbm4b:s7+s2], $0x200, $0x38;
	[tilespmem:$0xD180] =	vst v63  }
0x16: {  	_ =	swait.ge [sflag:s15], $0x3200  }
0x17: {  	s29 =	simm.s32 $0x200;
	[sflag:s15] =	ssyncset.done $0x0  }
0x18: {  	s30 =	simm.s32 $0x0;
	s31 =	simm.s32 $0x9C00;
	[sflag:s15] =	ssyncadd.s32 $0xFFFFCE00  }
.LBB2_2:
0x19: {  	[tilespmem:s31], [sflag:$0x1] =	stream.indirect.gather [hbm4b:s3+s16], $0x1, s30, s16, $0xb8;
	[tilespmem:$0xD180] =	vst v63  }
0x1a: {  	s30 =	smov.u32 s29;
	p0 =	sne.s32 s29, $0xC600  }
.Ltmp0:
0x1b: {  	s29 =	sadd.s32 $0x200, s29;
	(pc) =	sbr.rel @p0 .LBB2_2-.Ltmp0, $3  }
0x1c: {  	_ =	sdelay $0x1  }
0x1d: {  	s30 =	sshra.s32 s30, $0x2  }
0x1e: {  	s31 =	sadd.s32 $0x9C00, s30  }
0x1f: {  	[tilespmem:s31], [sflag:$0x1] =	stream.indirect.gather [hbm4b:s3+s16], $0x1, s30, s16, $0xb8;
	[tilespmem:$0xD180] =	vst v63  }
0x20: {  	_ = 	snop  }
0x21: {  	[tilespmem:s17], [sflag:$0x2] =	stream.strided.gather [hbm4b:s8+s12], $0x3000, s13, s12, $0x38;
	[tilespmem:$0xD180] =	vst v63  }
0x22: {  	s29 =	simm.s32 $0x0  }
0x23: {  	[tilespmem:s19], [sflag:$0x2] =	stream.linear.gather [hbm4b:s18+s29], $0x200, $0x38;
	[tilespmem:$0xD180] =	vst v63  }
0x24: {  	_ =	swait.ge [sflag:s15], $0x3200  }
0x25: {  	[sflag:s15] =	ssyncset.done $0x0  }
0x26: {  	[sflag:s15] =	ssyncadd.s32 $0xFFFFCE00  }
0x27: {  	[tilespmem:s20], [sflag:$0x2] =	stream.strided.gather [hbm4b:s9+s12], $0x3000, s13, s12, $0x38;
	[tilespmem:$0xD180] =	vst v63  }
0x28: {  	_ = 	snop  }
0x29: {  	[tilespmem:s22], [sflag:$0x2] =	stream.linear.gather [hbm4b:s21+s29], $0x200, $0x38;
	[tilespmem:$0xD180] =	vst v63  }
0x2a: {  	_ =	swait.ge [sflag:s15], $0x3200  }
0x2b: {  	[sflag:s15] =	ssyncset.done $0x0  }
0x2c: {  	[sflag:s15] =	ssyncadd.s32 $0xFFFFCE00  }
0x2d: {  	[tilespmem:s23], [sflag:$0x2] =	stream.linear.gather [hbm4b:s4+s29], $0x80, $0x38;
	[tilespmem:$0xD180] =	vst v63  }
0x2e: {  	_ =	swait.ge [sflag:s15], $0x80  }
0x2f: {  	[sflag:s15] =	ssyncset.done $0x0  }
0x30: {  	[sflag:s15] =	ssyncadd.s32 $0xFFFFFF80  }
0x31: {  	[tilespmem:s24], [sflag:$0x2] =	stream.linear.gather [hbm4b:s6+s29], $0x80, $0x38;
	[tilespmem:$0xD180] =	vst v63  }
0x32: {  	_ =	swait.ge [sflag:s15], $0x80  }
0x33: {  	[sflag:s15] =	ssyncset.done $0x0  }
0x34: {  	[sflag:s15] =	ssyncadd.s32 $0xFFFFFF80  }
0x35: {  	v0 =	vld [tilespmem:$0xD080];
	_ =	swait.ge [sflag:s25], $0x80  }
0x36: {  	[sflag:s25] =	ssyncset.done $0x0  }
0x37: {  	s31 =	simm.s32 $0x0;
	[sflag:s25] =	ssyncadd.s32 $0xFFFFFF80  }
0x38: {  	v1 =	vld [tilespmem:s31+$0x6840]  }
0x39: {  	v2 =	vld [tilespmem:s31+$0x9C40]  }
0x3a: {  	v3 =	vld [tilespmem:s31+$0x6820]  }
0x3b: {  	v4 =	vld [tilespmem:s31+$0x9C30]  }
0x3c: {  	v5 =	vld [tilespmem:s31+$0x9C00]  }
0x3d: {  	v6 =	vld [tilespmem:s31+$0x6870]  }
0x3e: {  	v12 =	vld [tilespmem:s31+$0x9C50]  }
0x3f: {  	v8 =	vld [tilespmem:s31+$0x6810]  }
0x40: {  	v7 =	vld [tilespmem:s31+$0x9C20]  }
0x41: {  	v9 =	vld [tilespmem:s31+$0x3470]  }
0x42: {  	v10 =	vld [tilespmem:s31+$0x9C10]  }
0x43: {  	v11 =	vld [tilespmem:s31+$0x9C70]  }
0x44: {  	v13 =	vld [tilespmem:s31+$0x3410]  }
0x45: {  	v14 =	vld [tilespmem:s31+$0x3420]  }
0x46: {  	v16 =	vld [tilespmem:s31+$0x9C60]  }
0x47: {  	v15 =	vld [tilespmem:s31+$0x3460]  }
0x48: {  	v17 =	vld [tilespmem:s31+$0x3450]  }
0x49: {  	v19 =	vld [tilespmem:s31+$0x3440]  }
0x4a: {  	v21 =	vld [tilespmem:s31+$0x3430]  }
0x4b: {  	v22 =	vld [tilespmem:s31+$0x3400]  }
0x4c: {  	v9 =	vld.idx.msk [tilespmem:v9+s23+$0x0], $0xffff  }
0x4d: {  	v13 =	vld.idx.msk [tilespmem:v13+s23+$0x0], $0xffff  }
0x4e: {  	v23 =	vld.idx.msk [tilespmem:v14+s23+$0x0], $0xffff  }
0x4f: {  	v24 =	vld.idx.msk [tilespmem:v15+s23+$0x0], $0xffff  }
0x50: {  	v14 =	vld [tilespmem:s31+$0x6860]  }
0x51: {  	v18 =	vld.idx.msk [tilespmem:v17+s23+$0x0], $0xffff  }
0x52: {  	v15 =	vld [tilespmem:s31+$0x6850];
	v10 =	vadd.f32 v13, v10  }
0x53: {  	v20 =	vld.idx.msk [tilespmem:v19+s23+$0x0], $0xffff;
	v13 =	vadd.f32 v23, v7;
	v9 =	vadd.f32 v9, v11  }
0x54: {  	v21 =	vld.idx.msk [tilespmem:v21+s23+$0x0], $0xffff;
	v7 =	vimm.f32 $0.0e+00;
	v16 =	vadd.f32 v24, v16;
	v17 =	vmul.f32 v10, v8  }
0x55: {  	v23 =	vld.idx.msk [tilespmem:v22+s23+$0x0], $0xffff;
	v11 =	vimm.f32 $0.0e+00;
	v25 =	vmul.f32 v13, v3;
	v19 =	vmul.f32 v9, v6  }
0x56: {  	v22 =	vld [tilespmem:s31+$0x6800];
	v3 =	vimm.f32 $0.0e+00;
	v6 =	vimm.f32 $0.0e+00;
	v9 =	vimm.f32 $0.0e+00  }
0x57: {  	s29 =	simm.s32 $0x200;
	v24 =	vld [tilespmem:s31+$0x6830];
	v10 =	vimm.f32 $0.0e+00;
	v13 =	vimm.f32 $0.0e+00;
	v8 =	vimm.f32 $0.0e+00  }
.LBB2_4:
0x58: {  	_ =	swait.ge [sflag:s25], $0x80  }
0x59: {  	p0 =	sne.s32 s29, $0xC600;
	v12 =	vadd.f32 v18, v12;
	s30 =	smov.u32 s29;
	s29 =	sadd.s32 $0x200, s29  }
0x5a: {  	v18 =	vadd.f32 v20, v2;
	[sflag:s25] =	ssyncset.done $0x0;
	v7 =	vadd.f32 v25, v7  }
0x5b: {  	s30 =	sshra.s32 s30, $0x2;
	v4 =	vadd.f32 v21, v4;
	v3 =	vadd.f32 v19, v3;
	[sflag:s25] =	ssyncadd.s32 $0xFFFFFF80;
	v12 =	vmul.f32 v12, v15  }
0x5c: {  	v5 =	vadd.f32 v23, v5;
	v15 =	vld [tilespmem:s30+$0x6840]  }
0x5d: {  	v1 =	vmul.f32 v18, v1;
	v2 =	vld [tilespmem:s30+$0x9C40];
	v19 =	vmul.f32 v4, v24;
	v6 =	vadd.f32 v12, v6  }
0x5e: {  	v11 =	vadd.f32 v17, v11;
	v14 =	vmul.f32 v16, v14;
	v12 =	vmul.f32 v5, v22;
	v24 =	vld [tilespmem:s30+$0x6820]  }
0x5f: {  	v10 =	vadd.f32 v1, v10;
	v4 =	vld [tilespmem:s30+$0x9C30];
	v9 =	vadd.f32 v19, v9  }
0x60: {  	v8 =	vadd.f32 v14, v8;
	v13 =	vadd.f32 v12, v13;
	v5 =	vld [tilespmem:s30+$0x9C00]  }
0x61: {  	v19 =	vld [tilespmem:s30+$0x6870];
	v1 =	vmov v15  }
0x62: {  	v12 =	vld [tilespmem:s30+$0x9C50]  }
0x63: {  	v16 =	vld [tilespmem:s30+$0x6810]  }
0x64: {  	v17 =	vld [tilespmem:s30+$0x9C20]  }
0x65: {  	v21 =	vld [tilespmem:s30+$0x9C10]  }
0x66: {  	v15 =	vld [tilespmem:s30+$0x3470]  }
0x67: {  	v22 =	vld [tilespmem:s30+$0x9C70]  }
0x68: {  	v18 =	vld [tilespmem:s30+$0x3410]  }
0x69: {  	v20 =	vld [tilespmem:s30+$0x3420]  }
0x6a: {  	v25 =	vld [tilespmem:s30+$0x9C60]  }
0x6b: {  	v23 =	vld [tilespmem:s30+$0x3460]  }
0x6c: {  	v14 =	vld [tilespmem:s30+$0x6860]  }
0x6d: {  	v26 =	vld [tilespmem:s30+$0x3450]  }
0x6e: {  	v27 =	vld.idx.msk [tilespmem:v15+s23+$0x0], $0xffff  }
0x6f: {  	v28 =	vld [tilespmem:s30+$0x3440]  }
0x70: {  	v29 =	vld [tilespmem:s30+$0x3430]  }
0x71: {  	v30 =	vld [tilespmem:s30+$0x3400]  }
0x72: {  	v31 =	vld.idx.msk [tilespmem:v18+s23+$0x0], $0xffff  }
0x73: {  	v32 =	vld.idx.msk [tilespmem:v20+s23+$0x0], $0xffff  }
0x74: {  	v33 =	vld.idx.msk [tilespmem:v23+s23+$0x0], $0xffff  }
0x75: {  	v18 =	vld.idx.msk [tilespmem:v26+s23+$0x0], $0xffff  }
0x76: {  	v15 =	vld [tilespmem:s30+$0x6850]  }
.Ltmp1:
0x77: {  	v20 =	vld.idx.msk [tilespmem:v28+s23+$0x0], $0xffff;
	(pc) =	sbr.rel @p0 .LBB2_4-.Ltmp1, $4  }
0x78: {  	v26 =	vadd.f32 v31, v21;
	v21 =	vld.idx.msk [tilespmem:v29+s23+$0x0], $0xffff  }
0x79: {  	v27 =	vadd.f32 v27, v22;
	v28 =	vadd.f32 v32, v17;
	v23 =	vld.idx.msk [tilespmem:v30+s23+$0x0], $0xffff  }
0x7a: {  	v17 =	vmul.f32 v26, v16;
	v16 =	vadd.f32 v33, v25;
	v22 =	vld [tilespmem:s30+$0x6800]  }
0x7b: {  	v19 =	vmul.f32 v27, v19;
	v25 =	vmul.f32 v28, v24;
	v24 =	vld [tilespmem:s30+$0x6830]  }
0x7c: {  	v2 =	vadd.f32 v20, v2;
	v12 =	vadd.f32 v18, v12  }
0x7d: {  	v11 =	vadd.f32 v17, v11;
	v4 =	vadd.f32 v21, v4  }
0x7e: {  	v57 =	vmul.f32 v16, v14;
	v7 =	vadd.f32 v25, v7;
	v5 =	vadd.f32 v23, v5  }
0x7f: {  	v60 =	vadd.f32 v19, v3;
	v1 =	vmul.f32 v2, v1;
	v56 =	vadd.f32 v11, v0  }
0x80: {  	v59 =	vadd.f32 v57, v8;
	v58 =	vadd.f32 v7, v0;
	v5 =	vmul.f32 v5, v22  }
0x81: {  	v63 =	vadd.f32 v60, v0;
	v4 =	vmul.f32 v4, v24;
	v1 =	vadd.f32 v1, v10;
	[tilespmem:$0xD110] =	vst v56  }
0x82: {  	v55 =	vmul.f32 v12, v15;
	v62 =	vadd.f32 v59, v0;
	[tilespmem:$0xD120] =	vst v58;
	v5 =	vadd.f32 v5, v13  }
0x83: {  	[tilespmem:$0xD170] =	vst v63;
	v4 =	vadd.f32 v4, v9;
	v1 =	vadd.f32 v1, v0  }
0x84: {  	[tilespmem:$0xD160] =	vst v62;
	v54 =	vadd.f32 v5, v0;
	v5 =	vadd.f32 v55, v6  }
0x85: {  	v4 =	vadd.f32 v4, v0;
	[tilespmem:$0xD140] =	vst v1  }
0x86: {  	s28 =	sadd.s32 $0x1, s28;
	[tilespmem:$0xD100] =	vst v54;
	v61 =	vadd.f32 v5, v0  }
0x87: {  	p0 =	sne.s32 s28, s11;
	[tilespmem:$0xD130] =	vst v4  }
.Ltmp2:
0x88: {  	[tilespmem:$0xD150] =	vst v61;
	(pc) =	sbr.rel @p0 .LBB2_1-.Ltmp2, $4  }
0x89: {  	[hbm4b:s10+s2] =	stream.linear.scatter [tilespmem:s26], [sflag:$0x2], $0x80, $0x38;
	[tilespmem:$0xD180] =	vst v63  }
0x8a: {  	_ =	swait.ge [sflag:s15], $0x80  }
0x8b: {  	[sflag:s15] =	ssyncset.done $0x0  }
0x8c: {  	[sflag:s15] =	ssyncadd.s32 $0xFFFFFF80  }
0x8d: {  	_ =	sfence.sel $0x180000  }
0x8e: {  	[bflag:$0x0] =	sbarrier.arrive $0xFFFF  }
0x8f: {  	p0 =	sne.s32 s1, $0x0;
	_ =	strace $0x90000047  }
0x90: {  	s0 =	sadd.s32 @!p0 $0x100000, s0;
	[bflag:$0x2] =	sbarrier.arrive $0xFFFF  }
0x91: {  	[sflag:s0] =	ssyncadd.tile.s32 @!p0 $0x1;
	_ =	shalt  }
.Lfunc_end2:
_tile_overlayer_lowered:
.L_overlay_start_2:
0x92: {  	(tag) =	ssettag $0x2  }
0x93: {  	s0 =	rddreg [dreg:$0x0];
	s2 =	stileid.u32  }
0x94: {  	s1 =	rddreg [dreg:$0x1];
	p0 =	sne.s32 s2, $0x0  }
0x95: {  	s3 =	rddreg [dreg:$0x2];
	[bflag:$0x3] =	sbarrier.arrive $0xFFFF;
	s2 =	simm.s32 @!p0 $0x1C02  }
0x96: {  	[timem:s3], [sflag:s2] =	dma.local @!p0 [hbm:s0], s1  }
0x97: {  	s0 =	simm.s32 @!p0 $0x2  }
0x98: {  	_ =	swait.ge @!p0 [sflag:s0], s1  }
0x99: {  	s1 =	ssub.s32 @!p0 $0x0, s1;
	[sflag:s0] =	ssyncset.done @!p0 $0x0  }
0x9a: {  	[sflag:s0] =	ssyncadd.s32 @!p0 s1  }
0x9b: {  	[bflag:$0x3] =	sbarrier.arrive $0xFFFF  }
0x9c: {  	_ =	shalt  }

</sc_bundles>
